<compile_context>
chip_gen: v7x
topology: tpu7x:2x2x1
jax: 0.10.2.dev20260603
libtpu: 0.0.44.dev20260713+nightly
codegen_flags: <defaults>
</compile_context>

<pallas_src>
import functools

import jax
import jax.numpy as jnp
from jax import lax
from jax.experimental import pallas as pl
from jax.experimental.pallas import tpu as pltpu
from jax.experimental.pallas import tpu_sc as plsc

B = 16384
F = 32
N = 1000000
NC = 2
NS = 16
L = 16
NW = NC * NS
BPW = B // NW
CH = 128
NCH = BPW // CH


def _mf_dot_body(uid_hbm, iid_hbm, ut_hbm, it_hbm, out_hbm,
                 uidx_v, iidx_v, urows_v, irows_v, out_v, sem):
  wid = lax.axis_index("s") * NC + lax.axis_index("c")
  base = wid * BPW

  pltpu.sync_copy(uid_hbm.at[pl.ds(base, BPW)], uidx_v)
  pltpu.sync_copy(iid_hbm.at[pl.ds(base, BPW)], iidx_v)

  copies = []
  for k in range(NCH):
    isl = pl.ds(k * CH, CH)
    copies.append(pltpu.async_copy(
        ut_hbm.at[uidx_v.at[isl]], urows_v.at[isl], sem))
    copies.append(pltpu.async_copy(
        it_hbm.at[iidx_v.at[isl]], irows_v.at[isl], sem))
  for c in copies:
    c.wait()

  iota = lax.iota(jnp.int32, L)
  m_last = iota == (L - 1)

  def body(g, _):
    u0 = urows_v[g, pl.ds(0, L)]
    u1 = urows_v[g, pl.ds(L, L)]
    v0 = irows_v[g, pl.ds(0, L)]
    v1 = irows_v[g, pl.ds(L, L)]
    p = u0 * v0 + u1 * v1
    s = jnp.cumsum(p)
    plsc.store_scatter(out_v, [iota * 0 + g], s, mask=m_last)
    return 0

  lax.fori_loop(0, BPW, body, 0)

  pltpu.sync_copy(out_v, out_hbm.at[pl.ds(base, BPW)])


_mf_dot = functools.partial(
    pl.kernel,
    out_type=jax.ShapeDtypeStruct((B,), jnp.float32),
    mesh=plsc.VectorSubcoreMesh(core_axis_name="c", subcore_axis_name="s"),
    scratch_types=[
        pltpu.VMEM((BPW,), jnp.int32),
        pltpu.VMEM((BPW,), jnp.int32),
        pltpu.VMEM((BPW, F), jnp.float32),
        pltpu.VMEM((BPW, F), jnp.float32),
        pltpu.VMEM((BPW,), jnp.float32),
        pltpu.SemaphoreType.DMA,
    ],
    compiler_params=pltpu.CompilerParams(
        needs_layout_passes=False, use_tc_tiling_on_sc=False),
)(_mf_dot_body)


@jax.jit
def kernel(user_ids, item_ids, user_table, item_table):
  return _mf_dot(user_ids.astype(jnp.int32), item_ids.astype(jnp.int32),
                 user_table, item_table)

# --- scband reference (transcript-rebuilt; emitter-appended) ---
"""Pipeline reference for scband-simple-matrix-factorization-model-49718541418705 (READ-ONLY COPY).

The authoritative reference and input builder live on the scoring server;
editing this copy changes nothing except your own understanding.
"""

import jax, jax.numpy as jnp
import numpy as np

N_USERS = 1000000
N_ITEMS = 1000000
N_FACTORS = 32
BATCH = 16384

def setup_inputs(seed: int = 0) -> dict:
    key = jax.random.key(seed)
    k1, k2, k3, k4 = jax.random.split(key, 4)
    user_ids = jax.random.randint(k1, (BATCH,), 0, N_USERS, dtype=jnp.int64 if jax.config.jax_enable_x64 else jnp.int32)
    item_ids = jax.random.randint(k2, (BATCH,), 0, N_ITEMS, dtype=jnp.int64 if jax.config.jax_enable_x64 else jnp.int32)
    # ScaledEmbedding init: normal scaled by 1/n_factors
    user_table = jax.random.normal(k3, (N_USERS, N_FACTORS), dtype=jnp.float32) / N_FACTORS
    item_table = jax.random.normal(k4, (N_ITEMS, N_FACTORS), dtype=jnp.float32) / N_FACTORS
    return {"user_ids": user_ids, "item_ids": item_ids, "user_table": user_table, "item_table": item_table}

def reference(user_ids, item_ids, user_table, item_table):
    # embedding lookups (gather)
    users_batch = jnp.take(user_table, user_ids, axis=0)  # [B, F]
    items_batch = jnp.take(item_table, item_ids, axis=0)  # [B, F]
    # squeeze is a no-op for [B, F]; ndim==2 -> sum over axis 1
    dot = (users_batch * items_batch).sum(axis=1)  # [B]
    return dot

if __name__ == "__main__":
    import jax
    _d = setup_inputs()
    print(jax.jit(kernel)(*tuple(_d.values())))

</pallas_src>

<mosaic_0001>
#map = affine_map<(d0, d1) -> (0)>
#map1 = affine_map<(d0, d1) -> (0, 0)>
module attributes {stable_mosaic.version = 14 : i64} {
  func.func @_mf_dot_body(%arg0: i32, %arg1: i32, %arg2: memref<16384xi32, #tpu.memory_space<hbm>>, %arg3: memref<16384xi32, #tpu.memory_space<hbm>>, %arg4: memref<1000000x32xf32, #tpu.memory_space<hbm>>, %arg5: memref<1000000x32xf32, #tpu.memory_space<hbm>>, %arg6: memref<16384xf32, #tpu.memory_space<hbm>>, %arg7: memref<512xi32, #tpu.memory_space<vmem>>, %arg8: memref<512xi32, #tpu.memory_space<vmem>>, %arg9: memref<512x32xf32, #tpu.memory_space<vmem>>, %arg10: memref<512x32xf32, #tpu.memory_space<vmem>>, %arg11: memref<512xf32, #tpu.memory_space<vmem>>, %arg12: memref<!tpu.dma_semaphore, #tpu.memory_space<semaphore_mem>>) attributes {dimension_semantics = [#tpu.dimension_semantics<core_parallel>, #tpu.dimension_semantics<subcore_parallel>], iteration_bounds = array<i64: 2, 16>, scalar_prefetch = 0 : i64, scratch_operands = 6 : i64, tpu.core_type = #tpu.core_type<sc_vector_subcore>, window_params = [{transform_indices = #map}, {transform_indices = #map}, {transform_indices = #map1}, {transform_indices = #map1}, {transform_indices = #map}]} {
    %mul3A = arith.constant 2 : i32
    %mul3A_0 = arith.muli %arg1, %mul3A : i32
    %add3A = arith.addi %mul3A_0, %arg0 : i32
    %mul3A_1 = arith.constant 512 : i32
    %mul3A_2 = arith.muli %add3A, %mul3A_1 : i32
    "tpu.region"() ({
      %run_scoped3A = tpu.sem_alloc : memref<!tpu.dma_semaphore, #tpu.memory_space<semaphore_mem>>
      %dma_start3A_137 = tpu.memref_slice %arg2[%mul3A_2] : memref<16384xi32, #tpu.memory_space<hbm>> -> memref<512xi32, #tpu.memory_space<hbm>>
      %dma_start3A_138 = tpu.memref_slice %arg2[%mul3A_2] : memref<16384xi32, #tpu.memory_space<hbm>> -> memref<512xi32, #tpu.memory_space<hbm>>
      tpu.enqueue_dma source(%dma_start3A_138 : memref<512xi32, #tpu.memory_space<hbm>>) target(%arg7 : memref<512xi32, #tpu.memory_space<vmem>>) target_semaphore(%run_scoped3A : memref<!tpu.dma_semaphore, #tpu.memory_space<semaphore_mem>>)
      %dma_wait3A_139 = tpu.memref_slice %arg2[%mul3A_2] : memref<16384xi32, #tpu.memory_space<hbm>> -> memref<512xi32, #tpu.memory_space<hbm>>
      %dma_wait3A_140 = tpu.memref_slice %arg2[%mul3A_2] : memref<16384xi32, #tpu.memory_space<hbm>> -> memref<512xi32, #tpu.memory_space<hbm>>
      tpu.wait_dma2 semaphore(%run_scoped3A : memref<!tpu.dma_semaphore, #tpu.memory_space<semaphore_mem>>) src(%dma_wait3A_140 : memref<512xi32, #tpu.memory_space<hbm>>) dst(%arg7 : memref<512xi32, #tpu.memory_space<vmem>>)
      tpu.yield
    }) : () -> ()
    "tpu.region"() ({
      %run_scoped3A = tpu.sem_alloc : memref<!tpu.dma_semaphore, #tpu.memory_space<semaphore_mem>>
      %dma_start3A_137 = tpu.memref_slice %arg3[%mul3A_2] : memref<16384xi32, #tpu.memory_space<hbm>> -> memref<512xi32, #tpu.memory_space<hbm>>
      %dma_start3A_138 = tpu.memref_slice %arg3[%mul3A_2] : memref<16384xi32, #tpu.memory_space<hbm>> -> memref<512xi32, #tpu.memory_space<hbm>>
      tpu.enqueue_dma source(%dma_start3A_138 : memref<512xi32, #tpu.memory_space<hbm>>) target(%arg8 : memref<512xi32, #tpu.memory_space<vmem>>) target_semaphore(%run_scoped3A : memref<!tpu.dma_semaphore, #tpu.memory_space<semaphore_mem>>)
      %dma_wait3A_139 = tpu.memref_slice %arg3[%mul3A_2] : memref<16384xi32, #tpu.memory_space<hbm>> -> memref<512xi32, #tpu.memory_space<hbm>>
      %dma_wait3A_140 = tpu.memref_slice %arg3[%mul3A_2] : memref<16384xi32, #tpu.memory_space<hbm>> -> memref<512xi32, #tpu.memory_space<hbm>>
      tpu.wait_dma2 semaphore(%run_scoped3A : memref<!tpu.dma_semaphore, #tpu.memory_space<semaphore_mem>>) src(%dma_wait3A_140 : memref<512xi32, #tpu.memory_space<hbm>>) dst(%arg8 : memref<512xi32, #tpu.memory_space<vmem>>)
      tpu.yield
    }) : () -> ()
    %dma_start3A = arith.constant 0 : i32
    %dma_start3A_3 = arith.constant 0 : i32
    %dma_start3A_4 = tpu.memref_slice %arg9[%dma_start3A, %dma_start3A_3] : memref<512x32xf32, #tpu.memory_space<vmem>> -> memref<128x32xf32, #tpu.memory_space<vmem>>
    %dma_start3A_5 = arith.constant 0 : i32
    %dma_start3A_6 = tpu.memref_slice %arg7[%dma_start3A_5] : memref<512xi32, #tpu.memory_space<vmem>> -> memref<128xi32, #tpu.memory_space<vmem>>
    %dma_start3A_7 = arith.constant 0 : i32
    %dma_start3A_8 = arith.constant 0 : i32
    %dma_start3A_9 = tpu.memref_slice %arg4[%dma_start3A_7, %dma_start3A_8] : memref<1000000x32xf32, #tpu.memory_space<hbm>> -> memref<1000000x32xf32, #tpu.memory_space<hbm>>
    tpu.enqueue_indirect_dma source(%dma_start3A_9 : memref<1000000x32xf32, #tpu.memory_space<hbm>>) target(%dma_start3A_4 : memref<128x32xf32, #tpu.memory_space<vmem>>) offsets(%dma_start3A_6 : memref<128xi32, #tpu.memory_space<vmem>>) semaphore(%arg12 : memref<!tpu.dma_semaphore, #tpu.memory_space<semaphore_mem>>)
    %dma_start3A_10 = arith.constant 0 : i32
    %dma_start3A_11 = arith.constant 0 : i32
    %dma_start3A_12 = tpu.memref_slice %arg10[%dma_start3A_10, %dma_start3A_11] : memref<512x32xf32, #tpu.memory_space<vmem>> -> memref<128x32xf32, #tpu.memory_space<vmem>>
    %dma_start3A_13 = arith.constant 0 : i32
    %dma_start3A_14 = tpu.memref_slice %arg8[%dma_start3A_13] : memref<512xi32, #tpu.memory_space<vmem>> -> memref<128xi32, #tpu.memory_space<vmem>>
    %dma_start3A_15 = arith.constant 0 : i32
    %dma_start3A_16 = arith.constant 0 : i32
    %dma_start3A_17 = tpu.memref_slice %arg5[%dma_start3A_15, %dma_start3A_16] : memref<1000000x32xf32, #tpu.memory_space<hbm>> -> memref<1000000x32xf32, #tpu.memory_space<hbm>>
    tpu.enqueue_indirect_dma source(%dma_start3A_17 : memref<1000000x32xf32, #tpu.memory_space<hbm>>) target(%dma_start3A_12 : memref<128x32xf32, #tpu.memory_space<vmem>>) offsets(%dma_start3A_14 : memref<128xi32, #tpu.memory_space<vmem>>) semaphore(%arg12 : memref<!tpu.dma_semaphore, #tpu.memory_space<semaphore_mem>>)
    %dma_start3A_18 = arith.constant 128 : i32
    %dma_start3A_19 = arith.constant 0 : i32
    %dma_start3A_20 = tpu.memref_slice %arg9[%dma_start3A_18, %dma_start3A_19] : memref<512x32xf32, #tpu.memory_space<vmem>> -> memref<128x32xf32, #tpu.memory_space<vmem>>
    %dma_start3A_21 = arith.constant 128 : i32
    %dma_start3A_22 = tpu.memref_slice %arg7[%dma_start3A_21] : memref<512xi32, #tpu.memory_space<vmem>> -> memref<128xi32, #tpu.memory_space<vmem>>
    %dma_start3A_23 = arith.constant 0 : i32
    %dma_start3A_24 = arith.constant 0 : i32
    %dma_start3A_25 = tpu.memref_slice %arg4[%dma_start3A_23, %dma_start3A_24] : memref<1000000x32xf32, #tpu.memory_space<hbm>> -> memref<1000000x32xf32, #tpu.memory_space<hbm>>
    tpu.enqueue_indirect_dma source(%dma_start3A_25 : memref<1000000x32xf32, #tpu.memory_space<hbm>>) target(%dma_start3A_20 : memref<128x32xf32, #tpu.memory_space<vmem>>) offsets(%dma_start3A_22 : memref<128xi32, #tpu.memory_space<vmem>>) semaphore(%arg12 : memref<!tpu.dma_semaphore, #tpu.memory_space<semaphore_mem>>)
    %dma_start3A_26 = arith.constant 128 : i32
    %dma_start3A_27 = arith.constant 0 : i32
    %dma_start3A_28 = tpu.memref_slice %arg10[%dma_start3A_26, %dma_start3A_27] : memref<512x32xf32, #tpu.memory_space<vmem>> -> memref<128x32xf32, #tpu.memory_space<vmem>>
    %dma_start3A_29 = arith.constant 128 : i32
    %dma_start3A_30 = tpu.memref_slice %arg8[%dma_start3A_29] : memref<512xi32, #tpu.memory_space<vmem>> -> memref<128xi32, #tpu.memory_space<vmem>>
    %dma_start3A_31 = arith.constant 0 : i32
    %dma_start3A_32 = arith.constant 0 : i32
    %dma_start3A_33 = tpu.memref_slice %arg5[%dma_start3A_31, %dma_start3A_32] : memref<1000000x32xf32, #tpu.memory_space<hbm>> -> memref<1000000x32xf32, #tpu.memory_space<hbm>>
    tpu.enqueue_indirect_dma source(%dma_start3A_33 : memref<1000000x32xf32, #tpu.memory_space<hbm>>) target(%dma_start3A_28 : memref<128x32xf32, #tpu.memory_space<vmem>>) offsets(%dma_start3A_30 : memref<128xi32, #tpu.memory_space<vmem>>) semaphore(%arg12 : memref<!tpu.dma_semaphore, #tpu.memory_space<semaphore_mem>>)
    %dma_start3A_34 = arith.constant 256 : i32
    %dma_start3A_35 = arith.constant 0 : i32
    %dma_start3A_36 = tpu.memref_slice %arg9[%dma_start3A_34, %dma_start3A_35] : memref<512x32xf32, #tpu.memory_space<vmem>> -> memref<128x32xf32, #tpu.memory_space<vmem>>
    %dma_start3A_37 = arith.constant 256 : i32
    %dma_start3A_38 = tpu.memref_slice %arg7[%dma_start3A_37] : memref<512xi32, #tpu.memory_space<vmem>> -> memref<128xi32, #tpu.memory_space<vmem>>
    %dma_start3A_39 = arith.constant 0 : i32
    %dma_start3A_40 = arith.constant 0 : i32
    %dma_start3A_41 = tpu.memref_slice %arg4[%dma_start3A_39, %dma_start3A_40] : memref<1000000x32xf32, #tpu.memory_space<hbm>> -> memref<1000000x32xf32, #tpu.memory_space<hbm>>
    tpu.enqueue_indirect_dma source(%dma_start3A_41 : memref<1000000x32xf32, #tpu.memory_space<hbm>>) target(%dma_start3A_36 : memref<128x32xf32, #tpu.memory_space<vmem>>) offsets(%dma_start3A_38 : memref<128xi32, #tpu.memory_space<vmem>>) semaphore(%arg12 : memref<!tpu.dma_semaphore, #tpu.memory_space<semaphore_mem>>)
    %dma_start3A_42 = arith.constant 256 : i32
    %dma_start3A_43 = arith.constant 0 : i32
    %dma_start3A_44 = tpu.memref_slice %arg10[%dma_start3A_42, %dma_start3A_43] : memref<512x32xf32, #tpu.memory_space<vmem>> -> memref<128x32xf32, #tpu.memory_space<vmem>>
    %dma_start3A_45 = arith.constant 256 : i32
    %dma_start3A_46 = tpu.memref_slice %arg8[%dma_start3A_45] : memref<512xi32, #tpu.memory_space<vmem>> -> memref<128xi32, #tpu.memory_space<vmem>>
    %dma_start3A_47 = arith.constant 0 : i32
    %dma_start3A_48 = arith.constant 0 : i32
    %dma_start3A_49 = tpu.memref_slice %arg5[%dma_start3A_47, %dma_start3A_48] : memref<1000000x32xf32, #tpu.memory_space<hbm>> -> memref<1000000x32xf32, #tpu.memory_space<hbm>>
    tpu.enqueue_indirect_dma source(%dma_start3A_49 : memref<1000000x32xf32, #tpu.memory_space<hbm>>) target(%dma_start3A_44 : memref<128x32xf32, #tpu.memory_space<vmem>>) offsets(%dma_start3A_46 : memref<128xi32, #tpu.memory_space<vmem>>) semaphore(%arg12 : memref<!tpu.dma_semaphore, #tpu.memory_space<semaphore_mem>>)
    %dma_start3A_50 = arith.constant 384 : i32
    %dma_start3A_51 = arith.constant 0 : i32
    %dma_start3A_52 = tpu.memref_slice %arg9[%dma_start3A_50, %dma_start3A_51] : memref<512x32xf32, #tpu.memory_space<vmem>> -> memref<128x32xf32, #tpu.memory_space<vmem>>
    %dma_start3A_53 = arith.constant 384 : i32
    %dma_start3A_54 = tpu.memref_slice %arg7[%dma_start3A_53] : memref<512xi32, #tpu.memory_space<vmem>> -> memref<128xi32, #tpu.memory_space<vmem>>
    %dma_start3A_55 = arith.constant 0 : i32
    %dma_start3A_56 = arith.constant 0 : i32
    %dma_start3A_57 = tpu.memref_slice %arg4[%dma_start3A_55, %dma_start3A_56] : memref<1000000x32xf32, #tpu.memory_space<hbm>> -> memref<1000000x32xf32, #tpu.memory_space<hbm>>
    tpu.enqueue_indirect_dma source(%dma_start3A_57 : memref<1000000x32xf32, #tpu.memory_space<hbm>>) target(%dma_start3A_52 : memref<128x32xf32, #tpu.memory_space<vmem>>) offsets(%dma_start3A_54 : memref<128xi32, #tpu.memory_space<vmem>>) semaphore(%arg12 : memref<!tpu.dma_semaphore, #tpu.memory_space<semaphore_mem>>)
    %dma_start3A_58 = arith.constant 384 : i32
    %dma_start3A_59 = arith.constant 0 : i32
    %dma_start3A_60 = tpu.memref_slice %arg10[%dma_start3A_58, %dma_start3A_59] : memref<512x32xf32, #tpu.memory_space<vmem>> -> memref<128x32xf32, #tpu.memory_space<vmem>>
    %dma_start3A_61 = arith.constant 384 : i32
    %dma_start3A_62 = tpu.memref_slice %arg8[%dma_start3A_61] : memref<512xi32, #tpu.memory_space<vmem>> -> memref<128xi32, #tpu.memory_space<vmem>>
    %dma_start3A_63 = arith.constant 0 : i32
    %dma_start3A_64 = arith.constant 0 : i32
    %dma_start3A_65 = tpu.memref_slice %arg5[%dma_start3A_63, %dma_start3A_64] : memref<1000000x32xf32, #tpu.memory_space<hbm>> -> memref<1000000x32xf32, #tpu.memory_space<hbm>>
    tpu.enqueue_indirect_dma source(%dma_start3A_65 : memref<1000000x32xf32, #tpu.memory_space<hbm>>) target(%dma_start3A_60 : memref<128x32xf32, #tpu.memory_space<vmem>>) offsets(%dma_start3A_62 : memref<128xi32, #tpu.memory_space<vmem>>) semaphore(%arg12 : memref<!tpu.dma_semaphore, #tpu.memory_space<semaphore_mem>>)
    %dma_wait3A = arith.constant 0 : i32
    %dma_wait3A_66 = arith.constant 0 : i32
    %dma_wait3A_67 = tpu.memref_slice %arg9[%dma_wait3A, %dma_wait3A_66] : memref<512x32xf32, #tpu.memory_space<vmem>> -> memref<128x32xf32, #tpu.memory_space<vmem>>
    %dma_wait3A_68 = arith.constant 0 : i32
    %dma_wait3A_69 = tpu.memref_slice %arg7[%dma_wait3A_68] : memref<512xi32, #tpu.memory_space<vmem>> -> memref<128xi32, #tpu.memory_space<vmem>>
    %dma_wait3A_70 = arith.constant 0 : i32
    %dma_wait3A_71 = arith.constant 0 : i32
    %dma_wait3A_72 = tpu.memref_slice %arg4[%dma_wait3A_70, %dma_wait3A_71] : memref<1000000x32xf32, #tpu.memory_space<hbm>> -> memref<1000000x32xf32, #tpu.memory_space<hbm>>
    tpu.wait_indirect_dma semaphore(%arg12 : memref<!tpu.dma_semaphore, #tpu.memory_space<semaphore_mem>>) src(%dma_wait3A_72 : memref<1000000x32xf32, #tpu.memory_space<hbm>>) dst(%dma_wait3A_67 : memref<128x32xf32, #tpu.memory_space<vmem>>)
    %dma_wait3A_73 = arith.constant 0 : i32
    %dma_wait3A_74 = arith.constant 0 : i32
    %dma_wait3A_75 = tpu.memref_slice %arg10[%dma_wait3A_73, %dma_wait3A_74] : memref<512x32xf32, #tpu.memory_space<vmem>> -> memref<128x32xf32, #tpu.memory_space<vmem>>
    %dma_wait3A_76 = arith.constant 0 : i32
    %dma_wait3A_77 = tpu.memref_slice %arg8[%dma_wait3A_76] : memref<512xi32, #tpu.memory_space<vmem>> -> memref<128xi32, #tpu.memory_space<vmem>>
    %dma_wait3A_78 = arith.constant 0 : i32
    %dma_wait3A_79 = arith.constant 0 : i32
    %dma_wait3A_80 = tpu.memref_slice %arg5[%dma_wait3A_78, %dma_wait3A_79] : memref<1000000x32xf32, #tpu.memory_space<hbm>> -> memref<1000000x32xf32, #tpu.memory_space<hbm>>
    tpu.wait_indirect_dma semaphore(%arg12 : memref<!tpu.dma_semaphore, #tpu.memory_space<semaphore_mem>>) src(%dma_wait3A_80 : memref<1000000x32xf32, #tpu.memory_space<hbm>>) dst(%dma_wait3A_75 : memref<128x32xf32, #tpu.memory_space<vmem>>)
    %dma_wait3A_81 = arith.constant 128 : i32
    %dma_wait3A_82 = arith.constant 0 : i32
    %dma_wait3A_83 = tpu.memref_slice %arg9[%dma_wait3A_81, %dma_wait3A_82] : memref<512x32xf32, #tpu.memory_space<vmem>> -> memref<128x32xf32, #tpu.memory_space<vmem>>
    %dma_wait3A_84 = arith.constant 128 : i32
    %dma_wait3A_85 = tpu.memref_slice %arg7[%dma_wait3A_84] : memref<512xi32, #tpu.memory_space<vmem>> -> memref<128xi32, #tpu.memory_space<vmem>>
    %dma_wait3A_86 = arith.constant 0 : i32
    %dma_wait3A_87 = arith.constant 0 : i32
    %dma_wait3A_88 = tpu.memref_slice %arg4[%dma_wait3A_86, %dma_wait3A_87] : memref<1000000x32xf32, #tpu.memory_space<hbm>> -> memref<1000000x32xf32, #tpu.memory_space<hbm>>
    tpu.wait_indirect_dma semaphore(%arg12 : memref<!tpu.dma_semaphore, #tpu.memory_space<semaphore_mem>>) src(%dma_wait3A_88 : memref<1000000x32xf32, #tpu.memory_space<hbm>>) dst(%dma_wait3A_83 : memref<128x32xf32, #tpu.memory_space<vmem>>)
    %dma_wait3A_89 = arith.constant 128 : i32
    %dma_wait3A_90 = arith.constant 0 : i32
    %dma_wait3A_91 = tpu.memref_slice %arg10[%dma_wait3A_89, %dma_wait3A_90] : memref<512x32xf32, #tpu.memory_space<vmem>> -> memref<128x32xf32, #tpu.memory_space<vmem>>
    %dma_wait3A_92 = arith.constant 128 : i32
    %dma_wait3A_93 = tpu.memref_slice %arg8[%dma_wait3A_92] : memref<512xi32, #tpu.memory_space<vmem>> -> memref<128xi32, #tpu.memory_space<vmem>>
    %dma_wait3A_94 = arith.constant 0 : i32
    %dma_wait3A_95 = arith.constant 0 : i32
    %dma_wait3A_96 = tpu.memref_slice %arg5[%dma_wait3A_94, %dma_wait3A_95] : memref<1000000x32xf32, #tpu.memory_space<hbm>> -> memref<1000000x32xf32, #tpu.memory_space<hbm>>
    tpu.wait_indirect_dma semaphore(%arg12 : memref<!tpu.dma_semaphore, #tpu.memory_space<semaphore_mem>>) src(%dma_wait3A_96 : memref<1000000x32xf32, #tpu.memory_space<hbm>>) dst(%dma_wait3A_91 : memref<128x32xf32, #tpu.memory_space<vmem>>)
    %dma_wait3A_97 = arith.constant 256 : i32
    %dma_wait3A_98 = arith.constant 0 : i32
    %dma_wait3A_99 = tpu.memref_slice %arg9[%dma_wait3A_97, %dma_wait3A_98] : memref<512x32xf32, #tpu.memory_space<vmem>> -> memref<128x32xf32, #tpu.memory_space<vmem>>
    %dma_wait3A_100 = arith.constant 256 : i32
    %dma_wait3A_101 = tpu.memref_slice %arg7[%dma_wait3A_100] : memref<512xi32, #tpu.memory_space<vmem>> -> memref<128xi32, #tpu.memory_space<vmem>>
    %dma_wait3A_102 = arith.constant 0 : i32
    %dma_wait3A_103 = arith.constant 0 : i32
    %dma_wait3A_104 = tpu.memref_slice %arg4[%dma_wait3A_102, %dma_wait3A_103] : memref<1000000x32xf32, #tpu.memory_space<hbm>> -> memref<1000000x32xf32, #tpu.memory_space<hbm>>
    tpu.wait_indirect_dma semaphore(%arg12 : memref<!tpu.dma_semaphore, #tpu.memory_space<semaphore_mem>>) src(%dma_wait3A_104 : memref<1000000x32xf32, #tpu.memory_space<hbm>>) dst(%dma_wait3A_99 : memref<128x32xf32, #tpu.memory_space<vmem>>)
    %dma_wait3A_105 = arith.constant 256 : i32
    %dma_wait3A_106 = arith.constant 0 : i32
    %dma_wait3A_107 = tpu.memref_slice %arg10[%dma_wait3A_105, %dma_wait3A_106] : memref<512x32xf32, #tpu.memory_space<vmem>> -> memref<128x32xf32, #tpu.memory_space<vmem>>
    %dma_wait3A_108 = arith.constant 256 : i32
    %dma_wait3A_109 = tpu.memref_slice %arg8[%dma_wait3A_108] : memref<512xi32, #tpu.memory_space<vmem>> -> memref<128xi32, #tpu.memory_space<vmem>>
    %dma_wait3A_110 = arith.constant 0 : i32
    %dma_wait3A_111 = arith.constant 0 : i32
    %dma_wait3A_112 = tpu.memref_slice %arg5[%dma_wait3A_110, %dma_wait3A_111] : memref<1000000x32xf32, #tpu.memory_space<hbm>> -> memref<1000000x32xf32, #tpu.memory_space<hbm>>
    tpu.wait_indirect_dma semaphore(%arg12 : memref<!tpu.dma_semaphore, #tpu.memory_space<semaphore_mem>>) src(%dma_wait3A_112 : memref<1000000x32xf32, #tpu.memory_space<hbm>>) dst(%dma_wait3A_107 : memref<128x32xf32, #tpu.memory_space<vmem>>)
    %dma_wait3A_113 = arith.constant 384 : i32
    %dma_wait3A_114 = arith.constant 0 : i32
    %dma_wait3A_115 = tpu.memref_slice %arg9[%dma_wait3A_113, %dma_wait3A_114] : memref<512x32xf32, #tpu.memory_space<vmem>> -> memref<128x32xf32, #tpu.memory_space<vmem>>
    %dma_wait3A_116 = arith.constant 384 : i32
    %dma_wait3A_117 = tpu.memref_slice %arg7[%dma_wait3A_116] : memref<512xi32, #tpu.memory_space<vmem>> -> memref<128xi32, #tpu.memory_space<vmem>>
    %dma_wait3A_118 = arith.constant 0 : i32
    %dma_wait3A_119 = arith.constant 0 : i32
    %dma_wait3A_120 = tpu.memref_slice %arg4[%dma_wait3A_118, %dma_wait3A_119] : memref<1000000x32xf32, #tpu.memory_space<hbm>> -> memref<1000000x32xf32, #tpu.memory_space<hbm>>
    tpu.wait_indirect_dma semaphore(%arg12 : memref<!tpu.dma_semaphore, #tpu.memory_space<semaphore_mem>>) src(%dma_wait3A_120 : memref<1000000x32xf32, #tpu.memory_space<hbm>>) dst(%dma_wait3A_115 : memref<128x32xf32, #tpu.memory_space<vmem>>)
    %dma_wait3A_121 = arith.constant 384 : i32
    %dma_wait3A_122 = arith.constant 0 : i32
    %dma_wait3A_123 = tpu.memref_slice %arg10[%dma_wait3A_121, %dma_wait3A_122] : memref<512x32xf32, #tpu.memory_space<vmem>> -> memref<128x32xf32, #tpu.memory_space<vmem>>
    %dma_wait3A_124 = arith.constant 384 : i32
    %dma_wait3A_125 = tpu.memref_slice %arg8[%dma_wait3A_124] : memref<512xi32, #tpu.memory_space<vmem>> -> memref<128xi32, #tpu.memory_space<vmem>>
    %dma_wait3A_126 = arith.constant 0 : i32
    %dma_wait3A_127 = arith.constant 0 : i32
    %dma_wait3A_128 = tpu.memref_slice %arg5[%dma_wait3A_126, %dma_wait3A_127] : memref<1000000x32xf32, #tpu.memory_space<hbm>> -> memref<1000000x32xf32, #tpu.memory_space<hbm>>
    tpu.wait_indirect_dma semaphore(%arg12 : memref<!tpu.dma_semaphore, #tpu.memory_space<semaphore_mem>>) src(%dma_wait3A_128 : memref<1000000x32xf32, #tpu.memory_space<hbm>>) dst(%dma_wait3A_123 : memref<128x32xf32, #tpu.memory_space<vmem>>)
    %iota3A = tpu.iota {dimensions = array<i32: 0>} : vector<16xi32>
    %eq3A = arith.constant 15 : i32
    %eq3A_129 = vector.broadcast %eq3A : i32 to vector<16xi32>
    %eq3A_130 = arith.cmpi eq, %iota3A, %eq3A_129 : vector<16xi32>
    %scan3A = arith.constant 0 : i32
    %scan3A_131 = arith.constant 0 : i32
    %scan3A_132 = arith.constant 512 : i32
    %scan3A_133 = arith.addi %scan3A_131, %scan3A_132 : i32
    %scan3A_134 = arith.constant 1 : i32
    %scan3A_135 = scf.for %scan3A_137 = %scan3A_131 to %scan3A_133 step %scan3A_134 iter_args(%scan3A_138 = %scan3A) -> (i32)  : i32 {
      %get3A = arith.index_cast %scan3A_137 : i32 to index
      %get3A_139 = arith.constant 0 : index
      %get3A_140 = tpu.vector_load %arg9[%get3A, %get3A_139] {strides = array<i32>} : memref<512x32xf32, #tpu.memory_space<vmem>>, vector<16xf32>,
      %get3A_141 = arith.index_cast %scan3A_137 : i32 to index
      %get3A_142 = arith.constant 16 : index
      %get3A_143 = tpu.vector_load %arg9[%get3A_141, %get3A_142] {strides = array<i32>} : memref<512x32xf32, #tpu.memory_space<vmem>>, vector<16xf32>,
      %get3A_144 = arith.index_cast %scan3A_137 : i32 to index
      %get3A_145 = arith.constant 0 : index
      %get3A_146 = tpu.vector_load %arg10[%get3A_144, %get3A_145] {strides = array<i32>} : memref<512x32xf32, #tpu.memory_space<vmem>>, vector<16xf32>,
      %get3A_147 = arith.index_cast %scan3A_137 : i32 to index
      %get3A_148 = arith.constant 16 : index
      %get3A_149 = tpu.vector_load %arg10[%get3A_147, %get3A_148] {strides = array<i32>} : memref<512x32xf32, #tpu.memory_space<vmem>>, vector<16xf32>,
      %mul3A_150 = arith.mulf %get3A_140, %get3A_146 : vector<16xf32>
      %mul3A_151 = arith.mulf %get3A_143, %get3A_149 : vector<16xf32>
      %add3A_152 = arith.addf %mul3A_150, %mul3A_151 : vector<16xf32>
      %cumsum3A = arith.constant true
      %cumsum3A_153 = vector.broadcast %cumsum3A : i1 to vector<16xi1>
      %cumsum3A_154 = tpu.scan <sum>, %add3A_152 masked %cumsum3A_153 : vector<16xf32>, vector<16xi1> -> vector<16xf32>
      %mul3A_155 = arith.constant 0 : i32
      %mul3A_156 = vector.broadcast %mul3A_155 : i32 to vector<16xi32>
      %mul3A_157 = arith.muli %iota3A, %mul3A_156 : vector<16xi32>
      %add3A_158 = vector.broadcast %scan3A_137 : i32 to vector<16xi32>
      %add3A_159 = arith.addi %mul3A_157, %add3A_158 : vector<16xi32>
      tpu.vector_store_idx %arg11[%add3A_159], %cumsum3A_154 masked %eq3A_130 : memref<512xf32, #tpu.memory_space<vmem>>[vector<16xi32>], vector<16xf32>, vector<16xi1>
      %scan3A_160 = arith.constant 0 : i32
      scf.yield %scan3A_160 : i32
    }
    %scan3A_136 = arith.constant 512 : i32
    "tpu.region"() ({
      %run_scoped3A = tpu.sem_alloc : memref<!tpu.dma_semaphore, #tpu.memory_space<semaphore_mem>>
      %dma_start3A_137 = tpu.memref_slice %arg6[%mul3A_2] : memref<16384xf32, #tpu.memory_space<hbm>> -> memref<512xf32, #tpu.memory_space<hbm>>
      %dma_start3A_138 = tpu.memref_slice %arg6[%mul3A_2] : memref<16384xf32, #tpu.memory_space<hbm>> -> memref<512xf32, #tpu.memory_space<hbm>>
      tpu.enqueue_dma source(%arg11 : memref<512xf32, #tpu.memory_space<vmem>>) target(%dma_start3A_138 : memref<512xf32, #tpu.memory_space<hbm>>) target_semaphore(%run_scoped3A : memref<!tpu.dma_semaphore, #tpu.memory_space<semaphore_mem>>)
      %dma_wait3A_139 = tpu.memref_slice %arg6[%mul3A_2] : memref<16384xf32, #tpu.memory_space<hbm>> -> memref<512xf32, #tpu.memory_space<hbm>>
      %dma_wait3A_140 = tpu.memref_slice %arg6[%mul3A_2] : memref<16384xf32, #tpu.memory_space<hbm>> -> memref<512xf32, #tpu.memory_space<hbm>>
      tpu.wait_dma2 semaphore(%run_scoped3A : memref<!tpu.dma_semaphore, #tpu.memory_space<semaphore_mem>>) src(%arg11 : memref<512xf32, #tpu.memory_space<vmem>>) dst(%dma_wait3A_140 : memref<512xf32, #tpu.memory_space<hbm>>)
      tpu.yield
    }) : () -> ()
    return
  }
}

</mosaic_0001>

<sc_bundles>
// kernel: kernel.3.cloned.1.call-start
scs
__scs_entry_jumppad:
0x0: {  	(pc) =	sbr.rel $0x88, $3  }
0x1: {  	(tag) =	ssettag $0x0;
	lr =	simm.s32 $0x1  }
0x2: {  	[smem:$0x3F9D] =	sst lr;
	_ =	strace $0xD0000000  }
0x3: {  	_ = 	snop  }
0x4: {  	_ = 	snop  }
0x5: {  	_ = 	snop  }
0x6: {  	_ = 	snop  }
0x7: {  	_ = 	snop  }
__scs_overlays_trampoline_lowered:
0x8: {  	[smem:$0x3FAC] =	sst s0  }
0x9: {  	[smem:$0x3FAD] =	sst s1  }
0xa: {  	[smem:$0x3FAE] =	sst s2  }
0xb: {  	[smem:$0x3FAF] =	sst s3  }
0xc: {  	[smem:$0x3FB0] =	sst s4  }
0xd: {  	[smem:$0x3FB1] =	sst s5  }
0xe: {  	[smem:$0x3FB2] =	sst s6  }
0xf: {  	[smem:$0x3FB3] =	sst s7  }
0x10: {  	[smem:$0x3FB4] =	sst s8  }
0x11: {  	[smem:$0x3FB5] =	sst s9;
	s0 =	simm.s32 @!p0 $0x0  }
0x12: {  	s1 =	sld [smem:$0x3F9B];
	s0 =	simm.s32 @p0 $0x1  }
0x13: {  	[smem:$0x3FB6] =	sst s0;
	s0 =	simm.s32 @!p1 $0x0  }
0x14: {  	s2 =	sld [smem:$0x3F9A];
	s0 =	simm.s32 @p1 $0x1  }
0x15: {  	[smem:$0x3FB7] =	sst s0;
	s0 =	simm.s32 @!p2 $0x0  }
0x16: {  	s3 =	sld [smem:$0x3FDB];
	s0 =	simm.s32 @p2 $0x1  }
0x17: {  	s4 =	simm.s32 $0x1BF5;
	[smem:$0x3FB9] =	sst s0  }
0x18: {  	s0 =	sld [smem:$0x3F9C];
	_ =	swait.ge [sflag:s4], $0x0  }
0x19: {  	s7 =	sld [smem:$0x3F9D]  }
0x1a: {  	s8 =	sadd.s32 $0xFFFFE003, lr  }
0x1b: {  	s9 =	sadd.s32 $0xFFFFFEF7, lr;
	s5 =	simm.s32 $0xFFFFFFFF;
	p2 =	slt.u32 s8, $0xFFFFF086  }
0x1c: {  	p1 =	slt.u32 s9, $0xF7A;
	s5 =	simm.s32 @!p2 $0x0  }
0x1d: {  	s5 =	simm.s32 @p1 $0x1;
	p0 =	seq.s32 s7, s2  }
0x1e: {  	s7 =	smul.u32 @!p0 $0xF7A, s2;
	p2 =	seq.s32 @!p0 s5, $0x0  }
0x1f: {  	s9 =	smul.u32 $0xF7A, s1;
	s8 =	simm.s32 @!p0 $0x1BF5;
	p2 =	por !p2, p0  }
0x20: {  	[sflag:s8] =	ssyncset.s32 @!p0 $0xFFFFF086;
	s6 =	sadd.s32 @!p0 s3, s7;
	s7 =	simm.s32 @!p0 $0x108  }
0x21: {  	s3 =	sadd.s32 s3, s9;
	s6 =	sadd.s32 @!p0 $0x88, s6;
	s7 =	simm.s32 @p2 $0x1082  }
0x22: {  	[simem:s7], [sflag:s8] =	dma.local @!p0 [hbm:s6], $0xF7A  }
0x23: {  	s9 =	sor.u32 $0xD0000000, s2;
	s6 =	simm.s32 $0x108;
	_ =	swait.ge @!p0 [sflag:s8], $0x0  }
0x24: {  	s3 =	sadd.s32 $0x88, s3;
	s6 =	simm.s32 @!p1 $0x1082;
	[sflag:s4] =	ssyncset.s32 $0xFFFFF086  }
0x25: {  	[simem:s6], [sflag:s4] =	dma.local [hbm:s3], $0xF7A  }
0x26: {  	[smem:$0x3F9D] =	sst s1;
	(tag) =	ssettag s2;
	_ =	strace s9  }
0x27: {  	s1 =	sld [smem:$0x3FAD]  }
0x28: {  	s2 =	sld [smem:$0x3FAE]  }
0x29: {  	s4 =	sld [smem:$0x3FB0]  }
0x2a: {  	p0 =	seq.s32 s5, $0x0;
	s5 =	sld [smem:$0x3FB1]  }
0x2b: {  	s6 =	sld [smem:$0x3FB2]  }
0x2c: {  	s7 =	sld [smem:$0x3FB3]  }
0x2d: {  	s3 =	simm.s32 $0x108;
	s8 =	sld [smem:$0x3FB4]  }
0x2e: {  	s3 =	simm.s32 @!p0 $0x1082;
	s9 =	sld [smem:$0x3FB5]  }
0x2f: {  	lr =	sadd.s32 s0, s3;
	s0 =	sld [smem:$0x3FAC]  }
0x30: {  	s3 =	sld [smem:$0x3FAF]  }
0x31: {  	[smem:$0x3FB8] =	sst s10  }
0x32: {  	s10 =	sld [smem:$0x3FB6];
	_ =	sdelay $0x3  }
0x33: {  	p0 =	seq.s32 s10, $0x1;
	s10 =	sld [smem:$0x3FB8];
	_ =	sdelay $0x3  }
0x34: {  	[smem:$0x3FB8] =	sst s10  }
0x35: {  	s10 =	sld [smem:$0x3FB7];
	_ =	sdelay $0x3  }
0x36: {  	p1 =	seq.s32 s10, $0x1;
	s10 =	sld [smem:$0x3FB8];
	_ =	sdelay $0x3  }
0x37: {  	[smem:$0x3FB8] =	sst s10  }
0x38: {  	s10 =	sld [smem:$0x3FB9]  }
0x39: {  	_ = 	snop;
	(pc) =	sbr.ind lr, $3  }
0x3a: {  	_ = 	snop  }
0x3b: {  	_ = 	snop  }
0x3c: {  	p2 =	seq.s32 s10, $0x1;
	s10 =	sld [smem:$0x3FB8]  }
0x3d: {  	_ =	shalt  }
0x3e: {  	_ =	shalt  }
0x3f: {  	_ =	shalt  }
0x40: {  	_ =	shalt  }
0x41: {  	_ =	shalt  }
0x42: {  	_ =	shalt  }
0x43: {  	_ =	shalt  }
0x44: {  	_ =	shalt  }
0x45: {  	_ =	shalt  }
0x46: {  	_ =	shalt  }
0x47: {  	_ =	shalt  }
0x48: {  	_ =	shalt  }
0x49: {  	_ =	shalt  }
0x4a: {  	_ =	shalt  }
0x4b: {  	_ =	shalt  }
0x4c: {  	_ =	shalt  }
0x4d: {  	_ =	shalt  }
0x4e: {  	_ =	shalt  }
0x4f: {  	_ =	shalt  }
0x50: {  	_ =	shalt  }
0x51: {  	_ =	shalt  }
0x52: {  	_ =	shalt  }
0x53: {  	_ =	shalt  }
0x54: {  	_ =	shalt  }
0x55: {  	_ =	shalt  }
0x56: {  	_ =	shalt  }
0x57: {  	_ =	shalt  }
0x58: {  	_ =	shalt  }
0x59: {  	_ =	shalt  }
0x5a: {  	_ =	shalt  }
0x5b: {  	_ =	shalt  }
0x5c: {  	_ =	shalt  }
0x5d: {  	_ =	shalt  }
0x5e: {  	_ =	shalt  }
0x5f: {  	_ =	shalt  }
0x60: {  	_ =	shalt  }
0x61: {  	_ =	shalt  }
0x62: {  	_ =	shalt  }
0x63: {  	_ =	shalt  }
0x64: {  	_ =	shalt  }
0x65: {  	_ =	shalt  }
0x66: {  	_ =	shalt  }
0x67: {  	_ =	shalt  }
0x68: {  	_ =	shalt  }
0x69: {  	_ =	shalt  }
0x6a: {  	_ =	shalt  }
0x6b: {  	_ =	shalt  }
0x6c: {  	_ =	shalt  }
0x6d: {  	_ =	shalt  }
0x6e: {  	_ =	shalt  }
0x6f: {  	_ =	shalt  }
0x70: {  	_ =	shalt  }
0x71: {  	_ =	shalt  }
0x72: {  	_ =	shalt  }
0x73: {  	_ =	shalt  }
0x74: {  	_ =	shalt  }
0x75: {  	_ =	shalt  }
0x76: {  	_ =	shalt  }
0x77: {  	_ =	shalt  }
0x78: {  	_ =	shalt  }
0x79: {  	_ =	shalt  }
0x7a: {  	_ =	shalt  }
0x7b: {  	_ =	shalt  }
0x7c: {  	_ =	shalt  }
0x7d: {  	_ =	shalt  }
0x7e: {  	_ =	shalt  }
0x7f: {  	_ =	shalt  }
0x80: {  	_ =	shalt  }
0x81: {  	_ =	shalt  }
0x82: {  	_ =	shalt  }
0x83: {  	_ =	shalt  }
0x84: {  	_ =	shalt  }
0x85: {  	_ =	shalt  }
0x86: {  	_ =	shalt  }
0x87: {  	_ =	shalt  }
.Lfunc_end0:
.L_simem_size_0:
called_computation_lowered:
.L_overlay_start_0:
0x88: {  	s2 =	sld [smem:$0x3FD9]  }
0x89: {  	s3 =	sld [smem:$0x3FFE];
	_ =	sdelay $0x1  }
0x8a: {  	s1 =	srdreg.scid  }
0x8b: {  	s0 =	sand.u32 $0x1, s1  }
0x8c: {  	s17 =	sshll.u32 s0, $0xA;
	s2 =	sadd.s32 s3, s2  }
0x8d: {  	s2 =	sadd.s32 s2, s17  }
0x8e: {  	[smem:$0x3FC4] =	sst s2  }
0x8f: {  	_ = 	snop  }
0x90: {  	s2 =	sld [smem:$0x3FC9]  }
0x91: {  	s18 =	sld [smem:$0x3FC8]  }
0x92: {  	s4 =	sld [smem:$0x3FD0];
	(tm) =	ssettm $0x1  }
0x93: {  	s5 =	sld [smem:$0x3FFB];
	_ =	sdelay $0x3  }
0x94: {  	_ =	strace s5  }
0x95: {  	s5 =	sld [smem:$0x3FFC];
	_ =	sdelay $0x3  }
0x96: {  	_ =	strace s5  }
0x97: {  	s5 =	sld [smem:$0x3FFD];
	_ =	sdelay $0x3  }
0x98: {  	_ =	strace s5  }
0x99: {  	_ =	strace $0x8FFFFFFF  }
0x9a: {  	s19 =	sld [smem:$0x3FDB];
	_ =	sdelay $0x1  }
0x9b: {  	s6 =	simm.s32 $_scs_section_size  }
0x9c: {  	s7 =	simm.s32 $_size__tile_overlayer_lowered;
	s8 =	simm.s32 $_tile_overlayer_lowered  }
0x9d: {  	s22 =	simm.s32 $0x1BFF;
	s21 =	sshll.u32 s8, $0x1;
	s5 =	sadd.s32 s6, s19  }
0x9e: {  	s9 =	simm.s32 $0x0;
	s20 =	sshll.u32 s7, $0x1;
	s7 =	sadd.s32 s21, s5  }
0x9f: {  	[timem:s9], [sflag:s22] =	dma.local [hbm:s7], s20  }
0xa0: {  	_ =	swait.ge [sflag:s22], s20  }
0xa1: {  	s6 =	ssub.s32 $0x0, s20;
	[sflag:s22] =	ssyncset.done $0x0  }
0xa2: {  	[sflag:s22] =	ssyncadd.s32 s6;
	_ =	sdelay $0x1  }
0xa3: {  	s23 =	simm.s32 $0x1B8B  }
0xa4: {  	_ =	swait.ge [sflag:s23], $0x1  }
0xa5: {  	[sflag:s23] =	ssyncset.done $0x0  }
0xa6: {  	s25 =	simm.s32 $0x1B8E;
	s24 =	sld [smem:$0x3FFE];
	[sflag:s23] =	ssyncadd.s32 $0xFFFFFFFF  }
0xa7: {  	s26 =	simm.s32 $execute0_lowered;
	[smem:$0x3FD2] =	sst s25  }
0xa8: {  	s7 =	sshll.u32 s26, $0x1;
	_ =	strace $0x80000046;
	[dreg:$0x1] =	wrdreg $0xFFFFFFFF  }
0xa9: {  	s28 =	simm.s32 $_size_execute0_lowered;
	s5 =	sadd.s32 s5, s7;
	[dreg:$0x0] =	wrdreg $0x0  }
0xaa: {  	s7 =	sshll.u32 s28, $0x1;
	[dreg:$0x2] =	wrdreg s5  }
0xab: {  	[dreg:$0x3] =	wrdreg s7  }
0xac: {  	[dreg:$0x4] =	wrdreg $0xC0  }
0xad: {  	_ =	task [dreg:s9], $0x5FFFF  }
0xae: {  	[dreg:$0x1] =	wrdreg $0xFFFFFFFF  }
0xaf: {  	[dreg:$0x0] =	wrdreg $0x60  }
0xb0: {  	[dreg:$0x2] =	wrdreg s2  }
0xb1: {  	[dreg:$0x3] =	wrdreg s18  }
0xb2: {  	[dreg:$0x4] =	wrdreg s24  }
0xb3: {  	[dreg:$0x5] =	wrdreg s4  }
0xb4: {  	[dreg:$0x6] =	wrdreg $0x9  }
0xb5: {  	_ =	task.clear_ibuf [dreg:s9], $0x7FFFF;
	_ =	strace $0x90000046  }
0xb6: {  	s29 =	simm.s32 $0x9;
	_ =	strace $0x80000048  }
0xb7: {  	_ =	swait.ge [sflag:s29], $0x1  }
0xb8: {  	[sflag:s29] =	ssyncadd.s32 $0xFFFFFFFF  }
0xb9: {  	_ =	strace $0x90000048  }
0xba: {  	_ =	sfence  }
0xbb: {  	s30 =	sld [smem:$0x0];
	_ =	sdelay $0x2  }
0xbc: {  	s31 =	sshll.u32 s1, $0xD;
	s1 =	sshrl.u32 s1, $0x2  }
0xbd: {  	s3 =	sand.u32 $0x4000, s31;
	s1 =	sadd.s32 s1, s30  }
0xbe: {  	s0 =	sor.u32 s3, s0;
	s1 =	sshll.u32 s1, $0x11  }
0xbf: {  	s0 =	sor.u32 s1, s0  }
0xc0: {  	s0 =	sadd.s32 $0x8F2B, s0  }
0xc1: {  	[sflag:s0] =	ssyncadd.remote.s32 $0x1  }
0xc2: {  	_ =	sfence.sel $0xFFFF  }
0xc3: {  	[dreg:$0x0] =	wrdreg $0xFFFFFFFF;
	(pc) =	sbr.abs _section_cstart, $3  }
0xc4: {  	[dreg:$0x1] =	wrdreg $0xFFFFFFFF  }
0xc5: {  	_ =	task.clear_ibuf [dreg:s9], $0x2FFFF;
	_ =	strace $0x9FFFFFFF  }
0xc6: {  	(tm) =	ssettm $0x7FFFFFFF  }
0xc7: {  	_ =	shalt  }
tec
execute0_lowered:
.L_overlay_start_1:
0x0: {  	(tag) =	ssettag $0x1  }
0x1: {  	s0 =	rddreg [dreg:$0x0]  }
0x2: {  	s6 =	rddreg [dreg:$0x1]  }
0x3: {  	s4 =	rddreg [dreg:$0x2]  }
0x4: {  	s7 =	rddreg [dreg:$0x3];
	s1 =	simm.s32 $0x0  }
0x5: {  	s5 =	srdreg.scid;
	s2 =	stileid.u32;
	s11 =	simm.s32 $0x80  }
0x6: {  	s12 =	simm.s32 $0x400;
	s13 =	simm.s32 $0x4400;
	s14 =	simm.s32 $0x1400  }
0x7: {  	s15 =	simm.s32 $0x280;
	s16 =	simm.s32 $0x5400;
	s17 =	simm.s32 $0x100  }
0x8: {  	s18 =	simm.s32 $0x2400;
	s19 =	simm.s32 $0x300;
	s20 =	simm.s32 $0x6400  }
0x9: {  	s21 =	simm.s32 $0x180;
	s22 =	simm.s32 $0x3400;
	s23 =	simm.s32 $0x380  }
0xa: {  	s24 =	simm.s32 $0x7400;
	s25 =	simm.s32 $0x1;
	s26 =	simm.s32 $0x8400  }
0xb: {  	s28 =	simm.s32 $0x0;
	[smem:$0x7FF] =	sst s1;
	s5 =	sand.u32 $0x1, s5  }
0xc: {  	s3 =	sadd.s32 $0xF42800, s4;
	s9 =	sshll.u32 s2, $0x7;
	s8 =	ssub.s32 $0x2, s5  }
0xd: {  	s4 =	sadd.s32 $0x1313200, s4;
	s5 =	sshll.u32 s5, $0x6;
	s10 =	sshrl.u32 s8, $0x1  }
0xe: {  	_ =	strace $0x80000047;
	s9 =	sor.u32 s5, s9;
	s8 =	ssub.s32 s8, s10  }
0xf: {  	s5 =	sadd.s32 s0, s9;
	s6 =	sadd.s32 s6, s9;
	s7 =	sadd.s32 s7, s9  }
0x10: {  	vm0 =	vcmask $0x3F3C;
	s9 =	simm.s32 $0x2;
	s10 =	simm.s32 $0x200;
	s8 =	smax.u32 s8, $0x1  }
.LBB2_1:
0x11: {  	[tilespmem:s1], [sflag:$0x2] =	stream.linear.gather [hbm4b:s5+s1], $0x200, $0x38;
	[tilespmem:$0x8600] =	vst v63  }
0x12: {  	_ =	swait.ge [sflag:s9], $0x200  }
0x13: {  	[sflag:s9] =	ssyncset.done $0x0  }
0x14: {  	[sflag:s9] =	ssyncadd.s32 $0xFFFFFE00  }
0x15: {  	[tilespmem:s10], [sflag:$0x2] =	stream.linear.gather [hbm4b:s6+s1], $0x200, $0x38;
	[tilespmem:$0x8600] =	vst v63  }
0x16: {  	_ =	swait.ge [sflag:s9], $0x200  }
0x17: {  	[sflag:s9] =	ssyncset.done $0x0  }
0x18: {  	[sflag:s9] =	ssyncadd.s32 $0xFFFFFE00  }
0x19: {  	[tilespmem:s12], [sflag:$0x1] =	stream.indirect.gather [hbm4b:s3+s11], $0x20, s1, s11, $0xb8;
	[tilespmem:$0x8600] =	vst v63  }
0x1a: {  	_ = 	snop  }
0x1b: {  	[tilespmem:s13], [sflag:$0x1] =	stream.indirect.gather [hbm4b:s4+s11], $0x20, s10, s11, $0xb8;
	[tilespmem:$0x8600] =	vst v63  }
0x1c: {  	_ = 	snop  }
0x1d: {  	[tilespmem:s14], [sflag:$0x1] =	stream.indirect.gather [hbm4b:s3+s11], $0x20, s11, s11, $0xb8;
	[tilespmem:$0x8600] =	vst v63  }
0x1e: {  	_ = 	snop  }
0x1f: {  	[tilespmem:s16], [sflag:$0x1] =	stream.indirect.gather [hbm4b:s4+s11], $0x20, s15, s11, $0xb8;
	[tilespmem:$0x8600] =	vst v63  }
0x20: {  	_ = 	snop  }
0x21: {  	[tilespmem:s18], [sflag:$0x1] =	stream.indirect.gather [hbm4b:s3+s11], $0x20, s17, s11, $0xb8;
	[tilespmem:$0x8600] =	vst v63  }
0x22: {  	_ = 	snop  }
0x23: {  	[tilespmem:s20], [sflag:$0x1] =	stream.indirect.gather [hbm4b:s4+s11], $0x20, s19, s11, $0xb8;
	[tilespmem:$0x8600] =	vst v63  }
0x24: {  	_ = 	snop  }
0x25: {  	[tilespmem:s22], [sflag:$0x1] =	stream.indirect.gather [hbm4b:s3+s11], $0x20, s21, s11, $0xb8;
	[tilespmem:$0x8600] =	vst v63  }
0x26: {  	_ = 	snop  }
0x27: {  	[tilespmem:s24], [sflag:$0x1] =	stream.indirect.gather [hbm4b:s4+s11], $0x20, s23, s11, $0xb8;
	[tilespmem:$0x8600] =	vst v63  }
0x28: {  	_ =	swait.ge [sflag:s25], $0x1000  }
0x29: {  	[sflag:s25] =	ssyncset.done $0x0  }
0x2a: {  	[sflag:s25] =	ssyncadd.s32 $0xFFFFF000  }
0x2b: {  	_ =	swait.ge [sflag:s25], $0x1000  }
0x2c: {  	[sflag:s25] =	ssyncset.done $0x0  }
0x2d: {  	[sflag:s25] =	ssyncadd.s32 $0xFFFFF000  }
0x2e: {  	_ =	swait.ge [sflag:s25], $0x1000  }
0x2f: {  	[sflag:s25] =	ssyncset.done $0x0  }
0x30: {  	[sflag:s25] =	ssyncadd.s32 $0xFFFFF000  }
0x31: {  	_ =	swait.ge [sflag:s25], $0x1000  }
0x32: {  	[sflag:s25] =	ssyncset.done $0x0  }
0x33: {  	[sflag:s25] =	ssyncadd.s32 $0xFFFFF000  }
0x34: {  	_ =	swait.ge [sflag:s25], $0x1000  }
0x35: {  	[sflag:s25] =	ssyncset.done $0x0  }
0x36: {  	[sflag:s25] =	ssyncadd.s32 $0xFFFFF000  }
0x37: {  	_ =	swait.ge [sflag:s25], $0x1000  }
0x38: {  	[sflag:s25] =	ssyncset.done $0x0  }
0x39: {  	[sflag:s25] =	ssyncadd.s32 $0xFFFFF000  }
0x3a: {  	_ =	swait.ge [sflag:s25], $0x1000  }
0x3b: {  	[sflag:s25] =	ssyncset.done $0x0  }
0x3c: {  	[sflag:s25] =	ssyncadd.s32 $0xFFFFF000  }
0x3d: {  	_ =	swait.ge [sflag:s25], $0x1000  }
0x3e: {  	[sflag:s25] =	ssyncset.done $0x0  }
0x3f: {  	s29 =	simm.s32 $0x4410;
	[sflag:s25] =	ssyncadd.s32 $0xFFFFF000  }
0x40: {  	s30 =	simm.s32 $0x410;
	v0 =	vld [tilespmem:s29+$0xFFFFFFF0]  }
0x41: {  	v1 =	vld [tilespmem:s30+$0xFFFFFFF0]  }
0x42: {  	v2 =	vld [tilespmem:s30+$0x0]  }
0x43: {  	s0 =	simm.s32 $0x1;
	s31 =	simm.s32 $0x0;
	v3 =	vld [tilespmem:s29+$0x0]  }
.LBB2_2:
0x44: {  	p0 =	sne.s32 s0, $0x1FF;
	_ =	sdelay $0x3  }
0x45: {  	v0 =	vmul.f32 v0, v1;
	v1 =	vmul.f32 v3, v2;
	_ =	sdelay $0x1  }
0x46: {  	v0 =	vadd.f32 v1, v0;
	_ =	sdelay $0x1  }
0x47: {  	(xrf2) =	vadd.scan.msk.f32 $0xffff, v0;
	_ =	sdelay $0x5  }
0x48: {  	v0 =	vmov s31;
	s31 =	smov.u32 s0;
	_ =	sdelay $0x3  }
0x49: {  	v1, _, _ =	vpop (xrf2)  }
.Ltmp0:
0x4a: {  	s29 =	sadd.s32 $0x20, s29;
	[tilespmem:v0+s26+$0x0] =	vst.idx.msk vm0, v1;
	(pc) =	sbr.rel @p0 .LBB2_2-.Ltmp0, $4  }
0x4b: {  	s30 =	sadd.s32 $0x20, s30;
	v0 =	vld [tilespmem:s29+$0xFFFFFFF0]  }
0x4c: {  	v1 =	vld [tilespmem:s30+$0xFFFFFFF0]  }
0x4d: {  	v2 =	vld [tilespmem:s30+$0x0]  }
0x4e: {  	s0 =	sadd.s32 $0x1, s0;
	v3 =	vld [tilespmem:s29+$0x0]  }
0x4f: {  	_ =	sdelay $0x3  }
0x50: {  	v0 =	vmul.f32 v0, v1;
	v61 =	vmul.f32 v3, v2;
	_ =	sdelay $0x1  }
0x51: {  	v0 =	vadd.f32 v61, v0;
	_ =	sdelay $0x1  }
0x52: {  	(xrf2) =	vadd.scan.msk.f32 $0xffff, v0;
	_ =	sdelay $0x5  }
0x53: {  	v62 =	vmov s31;
	_ =	sdelay $0x2  }
0x54: {  	s28 =	sadd.s32 $0x1, s28  }
0x55: {  	p0 =	sne.s32 s28, s8;
	v63, _, _ =	vpop (xrf2)  }
.Ltmp1:
0x56: {  	[tilespmem:v62+s26+$0x0] =	vst.idx.msk vm0, v63;
	(pc) =	sbr.rel @p0 .LBB2_1-.Ltmp1, $4  }
0x57: {  	[hbm4b:s7+s1] =	stream.linear.scatter [tilespmem:s26], [sflag:$0x2], $0x200, $0x38;
	[tilespmem:$0x8600] =	vst v63  }
0x58: {  	_ =	swait.ge [sflag:s9], $0x200  }
0x59: {  	[sflag:s9] =	ssyncset.done $0x0  }
0x5a: {  	[sflag:s9] =	ssyncadd.s32 $0xFFFFFE00  }
0x5b: {  	_ =	sfence.sel $0x180000  }
0x5c: {  	[bflag:$0x0] =	sbarrier.arrive $0xFFFF  }
0x5d: {  	_ =	strace $0x90000047  }
0x5e: {  	[bflag:$0x2] =	sbarrier.arrive $0xFFFF  }
0x5f: {  	p0 =	sne.s32 s2, $0x0;
	s0 =	rddreg [dreg:$0x4]  }
0x60: {  	s0 =	sadd.s32 @!p0 $0x100000, s0  }
0x61: {  	[sflag:s0] =	ssyncadd.tile.s32 @!p0 $0x1;
	_ =	shalt  }
.Lfunc_end2:
_tile_overlayer_lowered:
.L_overlay_start_2:
0x62: {  	(tag) =	ssettag $0x2  }
0x63: {  	s0 =	rddreg [dreg:$0x0];
	s2 =	stileid.u32  }
0x64: {  	s1 =	rddreg [dreg:$0x1];
	p0 =	sne.s32 s2, $0x0  }
0x65: {  	s3 =	rddreg [dreg:$0x2];
	[bflag:$0x3] =	sbarrier.arrive $0xFFFF;
	s2 =	simm.s32 @!p0 $0x1C02  }
0x66: {  	[timem:s3], [sflag:s2] =	dma.local @!p0 [hbm:s0], s1  }
0x67: {  	s0 =	simm.s32 @!p0 $0x2  }
0x68: {  	_ =	swait.ge @!p0 [sflag:s0], s1  }
0x69: {  	s1 =	ssub.s32 @!p0 $0x0, s1;
	[sflag:s0] =	ssyncset.done @!p0 $0x0  }
0x6a: {  	[sflag:s0] =	ssyncadd.s32 @!p0 s1  }
0x6b: {  	[bflag:$0x3] =	sbarrier.arrive $0xFFFF  }
0x6c: {  	_ =	shalt  }

</sc_bundles>
